<compile_context>
chip_gen: v7x
topology: tpu7x:2x2x1
jax: 0.10.2.dev20260603
libtpu: 0.0.44.dev20260713+nightly
codegen_flags: <defaults>
</compile_context>

<pallas_src>
import functools

import jax
import jax.numpy as jnp
from jax import lax
from jax.experimental import pallas as pl
from jax.experimental.pallas import tpu as pltpu
from jax.experimental.pallas import tpu_sc as plsc

_EMB = 448


def _mean_body(nblk, inv_n, x_ref, o_ref, acc_ref):
    i = pl.program_id(0)

    @pl.when(i == 0)
    def _init():
        acc_ref[...] = jnp.zeros_like(acc_ref)

    x = x_ref[...]
    c, bh, w = x.shape
    p = x[:, 0:8, :]
    for g in range(1, bh // 8):
        p = p + x[:, 8 * g : 8 * (g + 1), :]
    acc_ref[...] += p

    @pl.when(i == nblk - 1)
    def _fin():
        o_ref[...] = acc_ref[...].sum(axis=(1, 2))[:, None] * inv_n


def _channel_means_tc(image):
    c, h, w = image.shape
    bh = 32
    assert h % bh == 0
    nblk = h // bh
    return pl.pallas_call(
        functools.partial(_mean_body, nblk, 1.0 / (h * w)),
        grid=(nblk,),
        in_specs=[pl.BlockSpec((c, bh, w), lambda i: (0, i, 0))],
        out_specs=pl.BlockSpec((c, 1), lambda i: (0, 0)),
        out_shape=jax.ShapeDtypeStruct((c, 1), jnp.float32),
        scratch_shapes=[pltpu.VMEM((c, 8, w), jnp.float32)],
    )(image)


def _make_hist_sc(h, w, nbins):
    info = plsc.get_sparse_core_info()
    nc, ns, nl = info.num_cores, info.num_subcores, info.num_lanes
    nw = nc * ns
    hw = 16
    lrw = h // hw
    assert h % hw == 0 and lrw % 8 == 0 and w % nl == 0
    nvec = w // nl
    mesh = plsc.VectorSubcoreMesh(core_axis_name="c", subcore_axis_name="s")

    @functools.partial(
        pl.kernel,
        mesh=mesh,
        compiler_params=pltpu.CompilerParams(
            needs_layout_passes=False,
            use_tc_tiling_on_sc=True,
            skip_device_barrier=True,
        ),
        out_type=jax.ShapeDtypeStruct((hw * nbins,), jnp.float32),
        scratch_types=[
            pltpu.VMEM((lrw, w), jnp.int32),
            pltpu.VMEM((nl * nbins,), jnp.float32),
            pltpu.VMEM((nbins,), jnp.float32),
            pltpu.SemaphoreType.DMA,
        ],
    )
    def sc_kernel(lbl_hbm, hist_out, lbl_v, hist_v, part_v, sem_l):
        wid = lax.axis_index("s") * nc + lax.axis_index("c")

        @pl.when(wid < hw)
        def _hist():
            lbl_cp = pltpu.async_copy(
                lbl_hbm.at[pl.ds(wid * lrw, lrw)], lbl_v, sem_l
            )

            def _zero(t, carry):
                for u in range(8):
                    hist_v[pl.ds((t * 8 + u) * nl, nl)] = jnp.zeros(
                        (nl,), jnp.float32
                    )
                return carry

            lax.fori_loop(0, (nl * nbins) // (nl * 8), _zero, 0)
            lbl_cp.wait()

            lane_base = lax.iota(jnp.int32, nl) * nbins
            ones = jnp.ones((nl,), jnp.float32)

            def _scat(r, carry):
                for v in range(nvec):
                    idx = lbl_v[r, pl.ds(v * nl, nl)]
                    plsc.addupdate_scatter(hist_v, [lane_base + idx], ones)
                return carry

            lax.fori_loop(0, lrw, _scat, 0)

            def _red(cchunk, carry):
                def _lane(l, acc):
                    a0, a1 = acc
                    b = 2 * l * nbins + cchunk * nl
                    return (a0 + hist_v[pl.ds(b, nl)],
                            a1 + hist_v[pl.ds(b + nbins, nl)])

                z = jnp.zeros((nl,), jnp.float32)
                a0, a1 = lax.fori_loop(0, nl // 2, _lane, (z, z))
                part_v[pl.ds(cchunk * nl, nl)] = a0 + a1
                return carry

            lax.fori_loop(0, nbins // nl, _red, 0)

            pltpu.sync_copy(part_v, hist_out.at[pl.ds(wid * nbins, nbins)])

    return sc_kernel


def _emit_body(nparts, nbins, inv_n, m_ref, h_ref, o_ref):
    hist = h_ref[pl.ds(0, nbins)]
    for k in range(1, nparts):
        hist = hist + h_ref[pl.ds(k * nbins, nbins)]
    o_ref[pl.ds(0, m_ref.shape[0])] = m_ref[...][:, 0]
    o_ref[pl.ds(m_ref.shape[0], nbins)] = hist * inv_n


def _emit(mean2d, hist_parts, nbins, inv_n):
    c = mean2d.shape[0]
    nparts = hist_parts.shape[0] // nbins
    return pl.pallas_call(
        functools.partial(_emit_body, nparts, nbins, inv_n),
        out_shape=jax.ShapeDtypeStruct((c + nbins,), jnp.float32),
    )(mean2d, hist_parts)


def kernel(image, label):
    c, h, w = image.shape
    n = h * w
    nbins = _EMB - c
    mean2d = _channel_means_tc(image)
    hist_parts = _make_hist_sc(h, w, nbins)(label)
    return _emit(mean2d, hist_parts, nbins, 1.0 / n)

# --- scband reference (transcript-rebuilt; emitter-appended) ---
"""Pipeline reference for scband-input-embedder-72241349918977 (READ-ONLY COPY).

The authoritative reference and input builder live on the scoring server;
editing this copy changes nothing except your own understanding.
"""

import jax, jax.numpy as jnp
import numpy as np

EMB_SIZE = 448


def setup_inputs(seed: int = 0) -> dict:
    key = jax.random.key(seed)
    k1, k2 = jax.random.split(key)
    image = jax.random.normal(k1, (192, 384, 384), dtype=jnp.float32)
    label = jax.random.randint(k2, (384, 384), 0, 256, dtype=jnp.int32)
    return {"image": image, "label": label}


def reference(image, label):
    # image: float32[c, h, w], label: int[h, w]
    c, h, w = image.shape
    assert label.shape == (h, w)
    # only the first EMB_SIZE - c one-hot planes survive the final truncation,
    # so the plane count is static given the image channel dimension
    K = EMB_SIZE - c
    # per-pixel one-hot built with a scatter-overwrite:
    # labels_onehot[label[i, j], i, j] = 1
    ii = jnp.arange(h, dtype=label.dtype)[:, None]
    jj = jnp.arange(w, dtype=label.dtype)[None, :]
    labels_onehot = jnp.zeros((K, h, w), dtype=image.dtype).at[label, ii, jj].set(1.0)
    # concatenate image channels with one-hot label planes and pool spatially
    x = jnp.concatenate([image, labels_onehot], axis=0)  # [c + K, h, w]
    emb = x.mean(axis=(1, 2))  # [c + K]
    return emb[:EMB_SIZE]


if False:  # reference __main__ guard neutralized (emitter)
    inp = setup_inputs()
    out = reference(**inp)
    print(out.shape, out.dtype)

if __name__ == "__main__":
    import jax
    _d = setup_inputs()
    print(jax.jit(kernel)(*tuple(_d.values())))

</pallas_src>

<mosaic_0001>
#map = affine_map<(d0, d1) -> (0, 0)>
#map1 = affine_map<(d0, d1) -> (0)>
module attributes {stable_mosaic.version = 14 : i64} {
  func.func @sc_kernel(%arg0: i32, %arg1: i32, %arg2: memref<384x384xi32, #tpu.memory_space<hbm>>, %arg3: memref<4096xf32, #tpu.memory_space<hbm>>, %arg4: memref<24x384xi32, #tpu.memory_space<vmem>>, %arg5: memref<4096xf32, #tpu.memory_space<vmem>>, %arg6: memref<256xf32, #tpu.memory_space<vmem>>, %arg7: memref<!tpu.dma_semaphore, #tpu.memory_space<semaphore_mem>>) attributes {dimension_semantics = [#tpu.dimension_semantics<core_parallel>, #tpu.dimension_semantics<subcore_parallel>], iteration_bounds = array<i64: 2, 16>, scalar_prefetch = 0 : i64, scratch_operands = 4 : i64, tpu.core_type = #tpu.core_type<sc_vector_subcore>, window_params = [{transform_indices = #map}, {transform_indices = #map1}]} {
    %mul3A = arith.constant 2 : i32
    %mul3A_0 = arith.muli %arg1, %mul3A : i32
    %add3A = arith.addi %mul3A_0, %arg0 : i32
    %lt3A = arith.constant 16 : i32
    %lt3A_1 = arith.cmpi slt, %add3A, %lt3A : i32
    %convert_element_type3A = arith.extui %lt3A_1 : i1 to i32
    %cond3A = arith.constant 0 : i32
    %cond3A_2 = arith.cmpi ne, %convert_element_type3A, %cond3A : i32
    scf.if %cond3A_2 {
      %mul3A_3 = arith.constant 24 : i32
      %mul3A_4 = arith.muli %add3A, %mul3A_3 : i32
      %dma_start3A = arith.constant 0 : i32
      %dma_start3A_5 = tpu.memref_slice %arg2[%mul3A_4, %dma_start3A] : memref<384x384xi32, #tpu.memory_space<hbm>> -> memref<24x384xi32, #tpu.memory_space<hbm>>
      %dma_start3A_6 = arith.constant 0 : i32
      %dma_start3A_7 = tpu.memref_slice %arg2[%mul3A_4, %dma_start3A_6] : memref<384x384xi32, #tpu.memory_space<hbm>> -> memref<24x384xi32, #tpu.memory_space<hbm>>
      tpu.enqueue_dma source(%dma_start3A_7 : memref<24x384xi32, #tpu.memory_space<hbm>>) target(%arg4 : memref<24x384xi32, #tpu.memory_space<vmem>>) target_semaphore(%arg7 : memref<!tpu.dma_semaphore, #tpu.memory_space<semaphore_mem>>)
      %scan3A = arith.constant 0 : i32
      %scan3A_8 = arith.constant 0 : i32
      %scan3A_9 = arith.constant 32 : i32
      %scan3A_10 = arith.addi %scan3A_8, %scan3A_9 : i32
      %scan3A_11 = arith.constant 1 : i32
      scf.for %scan3A_34 = %scan3A_8 to %scan3A_10 step %scan3A_11  : i32 {
        %broadcast_in_dim3A_35 = arith.constant 0.000000e+00 : f32
        %broadcast_in_dim3A_36 = vector.broadcast %broadcast_in_dim3A_35 : f32 to vector<16xf32>
        %mul3A_37 = arith.constant 8 : i32
        %mul3A_38 = arith.muli %scan3A_34, %mul3A_37 : i32
        %add3A_39 = arith.constant 0 : i32
        %add3A_40 = arith.addi %mul3A_38, %add3A_39 : i32
        %mul3A_41 = arith.constant 16 : i32
        %mul3A_42 = arith.muli %add3A_40, %mul3A_41 : i32
        %swap3A = arith.index_cast %mul3A_42 : i32 to index
        %swap3A_43 = tpu.vector_load %arg5[%swap3A] {strides = array<i32>} : memref<4096xf32, #tpu.memory_space<vmem>>, vector<16xf32>,
        tpu.vector_store %arg5[%swap3A], %broadcast_in_dim3A_36 {strides = array<i32>} : memref<4096xf32, #tpu.memory_space<vmem>>, vector<16xf32>,
        %broadcast_in_dim3A_44 = arith.constant 0.000000e+00 : f32
        %broadcast_in_dim3A_45 = vector.broadcast %broadcast_in_dim3A_44 : f32 to vector<16xf32>
        %mul3A_46 = arith.constant 8 : i32
        %mul3A_47 = arith.muli %scan3A_34, %mul3A_46 : i32
        %add3A_48 = arith.constant 1 : i32
        %add3A_49 = arith.addi %mul3A_47, %add3A_48 : i32
        %mul3A_50 = arith.constant 16 : i32
        %mul3A_51 = arith.muli %add3A_49, %mul3A_50 : i32
        %swap3A_52 = arith.index_cast %mul3A_51 : i32 to index
        %swap3A_53 = tpu.vector_load %arg5[%swap3A_52] {strides = array<i32>} : memref<4096xf32, #tpu.memory_space<vmem>>, vector<16xf32>,
        tpu.vector_store %arg5[%swap3A_52], %broadcast_in_dim3A_45 {strides = array<i32>} : memref<4096xf32, #tpu.memory_space<vmem>>, vector<16xf32>,
        %broadcast_in_dim3A_54 = arith.constant 0.000000e+00 : f32
        %broadcast_in_dim3A_55 = vector.broadcast %broadcast_in_dim3A_54 : f32 to vector<16xf32>
        %mul3A_56 = arith.constant 8 : i32
        %mul3A_57 = arith.muli %scan3A_34, %mul3A_56 : i32
        %add3A_58 = arith.constant 2 : i32
        %add3A_59 = arith.addi %mul3A_57, %add3A_58 : i32
        %mul3A_60 = arith.constant 16 : i32
        %mul3A_61 = arith.muli %add3A_59, %mul3A_60 : i32
        %swap3A_62 = arith.index_cast %mul3A_61 : i32 to index
        %swap3A_63 = tpu.vector_load %arg5[%swap3A_62] {strides = array<i32>} : memref<4096xf32, #tpu.memory_space<vmem>>, vector<16xf32>,
        tpu.vector_store %arg5[%swap3A_62], %broadcast_in_dim3A_55 {strides = array<i32>} : memref<4096xf32, #tpu.memory_space<vmem>>, vector<16xf32>,
        %broadcast_in_dim3A_64 = arith.constant 0.000000e+00 : f32
        %broadcast_in_dim3A_65 = vector.broadcast %broadcast_in_dim3A_64 : f32 to vector<16xf32>
        %mul3A_66 = arith.constant 8 : i32
        %mul3A_67 = arith.muli %scan3A_34, %mul3A_66 : i32
        %add3A_68 = arith.constant 3 : i32
        %add3A_69 = arith.addi %mul3A_67, %add3A_68 : i32
        %mul3A_70 = arith.constant 16 : i32
        %mul3A_71 = arith.muli %add3A_69, %mul3A_70 : i32
        %swap3A_72 = arith.index_cast %mul3A_71 : i32 to index
        %swap3A_73 = tpu.vector_load %arg5[%swap3A_72] {strides = array<i32>} : memref<4096xf32, #tpu.memory_space<vmem>>, vector<16xf32>,
        tpu.vector_store %arg5[%swap3A_72], %broadcast_in_dim3A_65 {strides = array<i32>} : memref<4096xf32, #tpu.memory_space<vmem>>, vector<16xf32>,
        %broadcast_in_dim3A_74 = arith.constant 0.000000e+00 : f32
        %broadcast_in_dim3A_75 = vector.broadcast %broadcast_in_dim3A_74 : f32 to vector<16xf32>
        %mul3A_76 = arith.constant 8 : i32
        %mul3A_77 = arith.muli %scan3A_34, %mul3A_76 : i32
        %add3A_78 = arith.constant 4 : i32
        %add3A_79 = arith.addi %mul3A_77, %add3A_78 : i32
        %mul3A_80 = arith.constant 16 : i32
        %mul3A_81 = arith.muli %add3A_79, %mul3A_80 : i32
        %swap3A_82 = arith.index_cast %mul3A_81 : i32 to index
        %swap3A_83 = tpu.vector_load %arg5[%swap3A_82] {strides = array<i32>} : memref<4096xf32, #tpu.memory_space<vmem>>, vector<16xf32>,
        tpu.vector_store %arg5[%swap3A_82], %broadcast_in_dim3A_75 {strides = array<i32>} : memref<4096xf32, #tpu.memory_space<vmem>>, vector<16xf32>,
        %broadcast_in_dim3A_84 = arith.constant 0.000000e+00 : f32
        %broadcast_in_dim3A_85 = vector.broadcast %broadcast_in_dim3A_84 : f32 to vector<16xf32>
        %mul3A_86 = arith.constant 8 : i32
        %mul3A_87 = arith.muli %scan3A_34, %mul3A_86 : i32
        %add3A_88 = arith.constant 5 : i32
        %add3A_89 = arith.addi %mul3A_87, %add3A_88 : i32
        %mul3A_90 = arith.constant 16 : i32
        %mul3A_91 = arith.muli %add3A_89, %mul3A_90 : i32
        %swap3A_92 = arith.index_cast %mul3A_91 : i32 to index
        %swap3A_93 = tpu.vector_load %arg5[%swap3A_92] {strides = array<i32>} : memref<4096xf32, #tpu.memory_space<vmem>>, vector<16xf32>,
        tpu.vector_store %arg5[%swap3A_92], %broadcast_in_dim3A_85 {strides = array<i32>} : memref<4096xf32, #tpu.memory_space<vmem>>, vector<16xf32>,
        %broadcast_in_dim3A_94 = arith.constant 0.000000e+00 : f32
        %broadcast_in_dim3A_95 = vector.broadcast %broadcast_in_dim3A_94 : f32 to vector<16xf32>
        %mul3A_96 = arith.constant 8 : i32
        %mul3A_97 = arith.muli %scan3A_34, %mul3A_96 : i32
        %add3A_98 = arith.constant 6 : i32
        %add3A_99 = arith.addi %mul3A_97, %add3A_98 : i32
        %mul3A_100 = arith.constant 16 : i32
        %mul3A_101 = arith.muli %add3A_99, %mul3A_100 : i32
        %swap3A_102 = arith.index_cast %mul3A_101 : i32 to index
        %swap3A_103 = tpu.vector_load %arg5[%swap3A_102] {strides = array<i32>} : memref<4096xf32, #tpu.memory_space<vmem>>, vector<16xf32>,
        tpu.vector_store %arg5[%swap3A_102], %broadcast_in_dim3A_95 {strides = array<i32>} : memref<4096xf32, #tpu.memory_space<vmem>>, vector<16xf32>,
        %broadcast_in_dim3A_104 = arith.constant 0.000000e+00 : f32
        %broadcast_in_dim3A_105 = vector.broadcast %broadcast_in_dim3A_104 : f32 to vector<16xf32>
        %mul3A_106 = arith.constant 8 : i32
        %mul3A_107 = arith.muli %scan3A_34, %mul3A_106 : i32
        %add3A_108 = arith.constant 7 : i32
        %add3A_109 = arith.addi %mul3A_107, %add3A_108 : i32
        %mul3A_110 = arith.constant 16 : i32
        %mul3A_111 = arith.muli %add3A_109, %mul3A_110 : i32
        %swap3A_112 = arith.index_cast %mul3A_111 : i32 to index
        %swap3A_113 = tpu.vector_load %arg5[%swap3A_112] {strides = array<i32>} : memref<4096xf32, #tpu.memory_space<vmem>>, vector<16xf32>,
        tpu.vector_store %arg5[%swap3A_112], %broadcast_in_dim3A_105 {strides = array<i32>} : memref<4096xf32, #tpu.memory_space<vmem>>, vector<16xf32>,
      }
      %scan3A_12 = arith.constant 32 : i32
      %dma_wait3A = arith.constant 0 : i32
      %dma_wait3A_13 = tpu.memref_slice %arg2[%mul3A_4, %dma_wait3A] : memref<384x384xi32, #tpu.memory_space<hbm>> -> memref<24x384xi32, #tpu.memory_space<hbm>>
      %dma_wait3A_14 = arith.constant 0 : i32
      %dma_wait3A_15 = tpu.memref_slice %arg2[%mul3A_4, %dma_wait3A_14] : memref<384x384xi32, #tpu.memory_space<hbm>> -> memref<24x384xi32, #tpu.memory_space<hbm>>
      tpu.wait_dma2 semaphore(%arg7 : memref<!tpu.dma_semaphore, #tpu.memory_space<semaphore_mem>>) src(%dma_wait3A_15 : memref<24x384xi32, #tpu.memory_space<hbm>>) dst(%arg4 : memref<24x384xi32, #tpu.memory_space<vmem>>)
      %iota3A = tpu.iota {dimensions = array<i32: 0>} : vector<16xi32>
      %mul3A_16 = arith.constant 256 : i32
      %mul3A_17 = vector.broadcast %mul3A_16 : i32 to vector<16xi32>
      %mul3A_18 = arith.muli %iota3A, %mul3A_17 : vector<16xi32>
      %broadcast_in_dim3A = arith.constant 1.000000e+00 : f32
      %broadcast_in_dim3A_19 = vector.broadcast %broadcast_in_dim3A : f32 to vector<16xf32>
      %scan3A_20 = arith.constant 0 : i32
      %scan3A_21 = arith.constant 0 : i32
      %scan3A_22 = arith.constant 24 : i32
      %scan3A_23 = arith.addi %scan3A_21, %scan3A_22 : i32
      %scan3A_24 = arith.constant 1 : i32
      scf.for %scan3A_34 = %scan3A_21 to %scan3A_23 step %scan3A_24  : i32 {
        %get3A = arith.index_cast %scan3A_34 : i32 to index
        %get3A_35 = arith.constant 0 : index
        %get3A_36 = tpu.vector_load %arg4[%get3A, %get3A_35] {strides = array<i32>} : memref<24x384xi32, #tpu.memory_space<vmem>>, vector<16xi32>,
        %add3A_37 = arith.addi %mul3A_18, %get3A_36 : vector<16xi32>
        tpu.vector_store_idx %arg5[%add3A_37], %broadcast_in_dim3A_19 {add = true} : memref<4096xf32, #tpu.memory_space<vmem>>[vector<16xi32>], vector<16xf32>,
        %get3A_38 = arith.index_cast %scan3A_34 : i32 to index
        %get3A_39 = arith.constant 16 : index
        %get3A_40 = tpu.vector_load %arg4[%get3A_38, %get3A_39] {strides = array<i32>} : memref<24x384xi32, #tpu.memory_space<vmem>>, vector<16xi32>,
        %add3A_41 = arith.addi %mul3A_18, %get3A_40 : vector<16xi32>
        tpu.vector_store_idx %arg5[%add3A_41], %broadcast_in_dim3A_19 {add = true} : memref<4096xf32, #tpu.memory_space<vmem>>[vector<16xi32>], vector<16xf32>,
        %get3A_42 = arith.index_cast %scan3A_34 : i32 to index
        %get3A_43 = arith.constant 32 : index
        %get3A_44 = tpu.vector_load %arg4[%get3A_42, %get3A_43] {strides = array<i32>} : memref<24x384xi32, #tpu.memory_space<vmem>>, vector<16xi32>,
        %add3A_45 = arith.addi %mul3A_18, %get3A_44 : vector<16xi32>
        tpu.vector_store_idx %arg5[%add3A_45], %broadcast_in_dim3A_19 {add = true} : memref<4096xf32, #tpu.memory_space<vmem>>[vector<16xi32>], vector<16xf32>,
        %get3A_46 = arith.index_cast %scan3A_34 : i32 to index
        %get3A_47 = arith.constant 48 : index
        %get3A_48 = tpu.vector_load %arg4[%get3A_46, %get3A_47] {strides = array<i32>} : memref<24x384xi32, #tpu.memory_space<vmem>>, vector<16xi32>,
        %add3A_49 = arith.addi %mul3A_18, %get3A_48 : vector<16xi32>
        tpu.vector_store_idx %arg5[%add3A_49], %broadcast_in_dim3A_19 {add = true} : memref<4096xf32, #tpu.memory_space<vmem>>[vector<16xi32>], vector<16xf32>,
        %get3A_50 = arith.index_cast %scan3A_34 : i32 to index
        %get3A_51 = arith.constant 64 : index
        %get3A_52 = tpu.vector_load %arg4[%get3A_50, %get3A_51] {strides = array<i32>} : memref<24x384xi32, #tpu.memory_space<vmem>>, vector<16xi32>,
        %add3A_53 = arith.addi %mul3A_18, %get3A_52 : vector<16xi32>
        tpu.vector_store_idx %arg5[%add3A_53], %broadcast_in_dim3A_19 {add = true} : memref<4096xf32, #tpu.memory_space<vmem>>[vector<16xi32>], vector<16xf32>,
        %get3A_54 = arith.index_cast %scan3A_34 : i32 to index
        %get3A_55 = arith.constant 80 : index
        %get3A_56 = tpu.vector_load %arg4[%get3A_54, %get3A_55] {strides = array<i32>} : memref<24x384xi32, #tpu.memory_space<vmem>>, vector<16xi32>,
        %add3A_57 = arith.addi %mul3A_18, %get3A_56 : vector<16xi32>
        tpu.vector_store_idx %arg5[%add3A_57], %broadcast_in_dim3A_19 {add = true} : memref<4096xf32, #tpu.memory_space<vmem>>[vector<16xi32>], vector<16xf32>,
        %get3A_58 = arith.index_cast %scan3A_34 : i32 to index
        %get3A_59 = arith.constant 96 : index
        %get3A_60 = tpu.vector_load %arg4[%get3A_58, %get3A_59] {strides = array<i32>} : memref<24x384xi32, #tpu.memory_space<vmem>>, vector<16xi32>,
        %add3A_61 = arith.addi %mul3A_18, %get3A_60 : vector<16xi32>
        tpu.vector_store_idx %arg5[%add3A_61], %broadcast_in_dim3A_19 {add = true} : memref<4096xf32, #tpu.memory_space<vmem>>[vector<16xi32>], vector<16xf32>,
        %get3A_62 = arith.index_cast %scan3A_34 : i32 to index
        %get3A_63 = arith.constant 112 : index
        %get3A_64 = tpu.vector_load %arg4[%get3A_62, %get3A_63] {strides = array<i32>} : memref<24x384xi32, #tpu.memory_space<vmem>>, vector<16xi32>,
        %add3A_65 = arith.addi %mul3A_18, %get3A_64 : vector<16xi32>
        tpu.vector_store_idx %arg5[%add3A_65], %broadcast_in_dim3A_19 {add = true} : memref<4096xf32, #tpu.memory_space<vmem>>[vector<16xi32>], vector<16xf32>,
        %get3A_66 = arith.index_cast %scan3A_34 : i32 to index
        %get3A_67 = arith.constant 128 : index
        %get3A_68 = tpu.vector_load %arg4[%get3A_66, %get3A_67] {strides = array<i32>} : memref<24x384xi32, #tpu.memory_space<vmem>>, vector<16xi32>,
        %add3A_69 = arith.addi %mul3A_18, %get3A_68 : vector<16xi32>
        tpu.vector_store_idx %arg5[%add3A_69], %broadcast_in_dim3A_19 {add = true} : memref<4096xf32, #tpu.memory_space<vmem>>[vector<16xi32>], vector<16xf32>,
        %get3A_70 = arith.index_cast %scan3A_34 : i32 to index
        %get3A_71 = arith.constant 144 : index
        %get3A_72 = tpu.vector_load %arg4[%get3A_70, %get3A_71] {strides = array<i32>} : memref<24x384xi32, #tpu.memory_space<vmem>>, vector<16xi32>,
        %add3A_73 = arith.addi %mul3A_18, %get3A_72 : vector<16xi32>
        tpu.vector_store_idx %arg5[%add3A_73], %broadcast_in_dim3A_19 {add = true} : memref<4096xf32, #tpu.memory_space<vmem>>[vector<16xi32>], vector<16xf32>,
        %get3A_74 = arith.index_cast %scan3A_34 : i32 to index
        %get3A_75 = arith.constant 160 : index
        %get3A_76 = tpu.vector_load %arg4[%get3A_74, %get3A_75] {strides = array<i32>} : memref<24x384xi32, #tpu.memory_space<vmem>>, vector<16xi32>,
        %add3A_77 = arith.addi %mul3A_18, %get3A_76 : vector<16xi32>
        tpu.vector_store_idx %arg5[%add3A_77], %broadcast_in_dim3A_19 {add = true} : memref<4096xf32, #tpu.memory_space<vmem>>[vector<16xi32>], vector<16xf32>,
        %get3A_78 = arith.index_cast %scan3A_34 : i32 to index
        %get3A_79 = arith.constant 176 : index
        %get3A_80 = tpu.vector_load %arg4[%get3A_78, %get3A_79] {strides = array<i32>} : memref<24x384xi32, #tpu.memory_space<vmem>>, vector<16xi32>,
        %add3A_81 = arith.addi %mul3A_18, %get3A_80 : vector<16xi32>
        tpu.vector_store_idx %arg5[%add3A_81], %broadcast_in_dim3A_19 {add = true} : memref<4096xf32, #tpu.memory_space<vmem>>[vector<16xi32>], vector<16xf32>,
        %get3A_82 = arith.index_cast %scan3A_34 : i32 to index
        %get3A_83 = arith.constant 192 : index
        %get3A_84 = tpu.vector_load %arg4[%get3A_82, %get3A_83] {strides = array<i32>} : memref<24x384xi32, #tpu.memory_space<vmem>>, vector<16xi32>,
        %add3A_85 = arith.addi %mul3A_18, %get3A_84 : vector<16xi32>
        tpu.vector_store_idx %arg5[%add3A_85], %broadcast_in_dim3A_19 {add = true} : memref<4096xf32, #tpu.memory_space<vmem>>[vector<16xi32>], vector<16xf32>,
        %get3A_86 = arith.index_cast %scan3A_34 : i32 to index
        %get3A_87 = arith.constant 208 : index
        %get3A_88 = tpu.vector_load %arg4[%get3A_86, %get3A_87] {strides = array<i32>} : memref<24x384xi32, #tpu.memory_space<vmem>>, vector<16xi32>,
        %add3A_89 = arith.addi %mul3A_18, %get3A_88 : vector<16xi32>
        tpu.vector_store_idx %arg5[%add3A_89], %broadcast_in_dim3A_19 {add = true} : memref<4096xf32, #tpu.memory_space<vmem>>[vector<16xi32>], vector<16xf32>,
        %get3A_90 = arith.index_cast %scan3A_34 : i32 to index
        %get3A_91 = arith.constant 224 : index
        %get3A_92 = tpu.vector_load %arg4[%get3A_90, %get3A_91] {strides = array<i32>} : memref<24x384xi32, #tpu.memory_space<vmem>>, vector<16xi32>,
        %add3A_93 = arith.addi %mul3A_18, %get3A_92 : vector<16xi32>
        tpu.vector_store_idx %arg5[%add3A_93], %broadcast_in_dim3A_19 {add = true} : memref<4096xf32, #tpu.memory_space<vmem>>[vector<16xi32>], vector<16xf32>,
        %get3A_94 = arith.index_cast %scan3A_34 : i32 to index
        %get3A_95 = arith.constant 240 : index
        %get3A_96 = tpu.vector_load %arg4[%get3A_94, %get3A_95] {strides = array<i32>} : memref<24x384xi32, #tpu.memory_space<vmem>>, vector<16xi32>,
        %add3A_97 = arith.addi %mul3A_18, %get3A_96 : vector<16xi32>
        tpu.vector_store_idx %arg5[%add3A_97], %broadcast_in_dim3A_19 {add = true} : memref<4096xf32, #tpu.memory_space<vmem>>[vector<16xi32>], vector<16xf32>,
        %get3A_98 = arith.index_cast %scan3A_34 : i32 to index
        %get3A_99 = arith.constant 256 : index
        %get3A_100 = tpu.vector_load %arg4[%get3A_98, %get3A_99] {strides = array<i32>} : memref<24x384xi32, #tpu.memory_space<vmem>>, vector<16xi32>,
        %add3A_101 = arith.addi %mul3A_18, %get3A_100 : vector<16xi32>
        tpu.vector_store_idx %arg5[%add3A_101], %broadcast_in_dim3A_19 {add = true} : memref<4096xf32, #tpu.memory_space<vmem>>[vector<16xi32>], vector<16xf32>,
        %get3A_102 = arith.index_cast %scan3A_34 : i32 to index
        %get3A_103 = arith.constant 272 : index
        %get3A_104 = tpu.vector_load %arg4[%get3A_102, %get3A_103] {strides = array<i32>} : memref<24x384xi32, #tpu.memory_space<vmem>>, vector<16xi32>,
        %add3A_105 = arith.addi %mul3A_18, %get3A_104 : vector<16xi32>
        tpu.vector_store_idx %arg5[%add3A_105], %broadcast_in_dim3A_19 {add = true} : memref<4096xf32, #tpu.memory_space<vmem>>[vector<16xi32>], vector<16xf32>,
        %get3A_106 = arith.index_cast %scan3A_34 : i32 to index
        %get3A_107 = arith.constant 288 : index
        %get3A_108 = tpu.vector_load %arg4[%get3A_106, %get3A_107] {strides = array<i32>} : memref<24x384xi32, #tpu.memory_space<vmem>>, vector<16xi32>,
        %add3A_109 = arith.addi %mul3A_18, %get3A_108 : vector<16xi32>
        tpu.vector_store_idx %arg5[%add3A_109], %broadcast_in_dim3A_19 {add = true} : memref<4096xf32, #tpu.memory_space<vmem>>[vector<16xi32>], vector<16xf32>,
        %get3A_110 = arith.index_cast %scan3A_34 : i32 to index
        %get3A_111 = arith.constant 304 : index
        %get3A_112 = tpu.vector_load %arg4[%get3A_110, %get3A_111] {strides = array<i32>} : memref<24x384xi32, #tpu.memory_space<vmem>>, vector<16xi32>,
        %add3A_113 = arith.addi %mul3A_18, %get3A_112 : vector<16xi32>
        tpu.vector_store_idx %arg5[%add3A_113], %broadcast_in_dim3A_19 {add = true} : memref<4096xf32, #tpu.memory_space<vmem>>[vector<16xi32>], vector<16xf32>,
        %get3A_114 = arith.index_cast %scan3A_34 : i32 to index
        %get3A_115 = arith.constant 320 : index
        %get3A_116 = tpu.vector_load %arg4[%get3A_114, %get3A_115] {strides = array<i32>} : memref<24x384xi32, #tpu.memory_space<vmem>>, vector<16xi32>,
        %add3A_117 = arith.addi %mul3A_18, %get3A_116 : vector<16xi32>
        tpu.vector_store_idx %arg5[%add3A_117], %broadcast_in_dim3A_19 {add = true} : memref<4096xf32, #tpu.memory_space<vmem>>[vector<16xi32>], vector<16xf32>,
        %get3A_118 = arith.index_cast %scan3A_34 : i32 to index
        %get3A_119 = arith.constant 336 : index
        %get3A_120 = tpu.vector_load %arg4[%get3A_118, %get3A_119] {strides = array<i32>} : memref<24x384xi32, #tpu.memory_space<vmem>>, vector<16xi32>,
        %add3A_121 = arith.addi %mul3A_18, %get3A_120 : vector<16xi32>
        tpu.vector_store_idx %arg5[%add3A_121], %broadcast_in_dim3A_19 {add = true} : memref<4096xf32, #tpu.memory_space<vmem>>[vector<16xi32>], vector<16xf32>,
        %get3A_122 = arith.index_cast %scan3A_34 : i32 to index
        %get3A_123 = arith.constant 352 : index
        %get3A_124 = tpu.vector_load %arg4[%get3A_122, %get3A_123] {strides = array<i32>} : memref<24x384xi32, #tpu.memory_space<vmem>>, vector<16xi32>,
        %add3A_125 = arith.addi %mul3A_18, %get3A_124 : vector<16xi32>
        tpu.vector_store_idx %arg5[%add3A_125], %broadcast_in_dim3A_19 {add = true} : memref<4096xf32, #tpu.memory_space<vmem>>[vector<16xi32>], vector<16xf32>,
        %get3A_126 = arith.index_cast %scan3A_34 : i32 to index
        %get3A_127 = arith.constant 368 : index
        %get3A_128 = tpu.vector_load %arg4[%get3A_126, %get3A_127] {strides = array<i32>} : memref<24x384xi32, #tpu.memory_space<vmem>>, vector<16xi32>,
        %add3A_129 = arith.addi %mul3A_18, %get3A_128 : vector<16xi32>
        tpu.vector_store_idx %arg5[%add3A_129], %broadcast_in_dim3A_19 {add = true} : memref<4096xf32, #tpu.memory_space<vmem>>[vector<16xi32>], vector<16xf32>,
      }
      %scan3A_25 = arith.constant 24 : i32
      %scan3A_26 = arith.constant 0 : i32
      %scan3A_27 = arith.constant 0 : i32
      %scan3A_28 = arith.constant 16 : i32
      %scan3A_29 = arith.addi %scan3A_27, %scan3A_28 : i32
      %scan3A_30 = arith.constant 1 : i32
      scf.for %scan3A_34 = %scan3A_27 to %scan3A_29 step %scan3A_30  : i32 {
        %broadcast_in_dim3A_35 = arith.constant 0.000000e+00 : f32
        %broadcast_in_dim3A_36 = vector.broadcast %broadcast_in_dim3A_35 : f32 to vector<16xf32>
        %scan3A_37 = arith.constant 0 : i32
        %scan3A_38 = arith.constant 8 : i32
        %scan3A_39 = arith.addi %scan3A_37, %scan3A_38 : i32
        %scan3A_40 = arith.constant 1 : i32
        %scan3A_41:2 = scf.for %scan3A_47 = %scan3A_37 to %scan3A_39 step %scan3A_40 iter_args(%scan3A_48 = %broadcast_in_dim3A_36, %scan3A_49 = %broadcast_in_dim3A_36) -> (vector<16xf32>, vector<16xf32>)  : i32 {
          %mul3A_50 = arith.constant 2 : i32
          %mul3A_51 = arith.muli %mul3A_50, %scan3A_47 : i32
          %mul3A_52 = arith.constant 256 : i32
          %mul3A_53 = arith.muli %mul3A_51, %mul3A_52 : i32
          %mul3A_54 = arith.constant 16 : i32
          %mul3A_55 = arith.muli %scan3A_34, %mul3A_54 : i32
          %add3A_56 = arith.addi %mul3A_53, %mul3A_55 : i32
          %get3A = arith.index_cast %add3A_56 : i32 to index
          %get3A_57 = tpu.vector_load %arg5[%get3A] {strides = array<i32>} : memref<4096xf32, #tpu.memory_space<vmem>>, vector<16xf32>,
          %add3A_58 = arith.addf %scan3A_48, %get3A_57 : vector<16xf32>
          %add3A_59 = arith.constant 256 : i32
          %add3A_60 = arith.addi %add3A_56, %add3A_59 : i32
          %get3A_61 = arith.index_cast %add3A_60 : i32 to index
          %get3A_62 = tpu.vector_load %arg5[%get3A_61] {strides = array<i32>} : memref<4096xf32, #tpu.memory_space<vmem>>, vector<16xf32>,
          %add3A_63 = arith.addf %scan3A_49, %get3A_62 : vector<16xf32>
          scf.yield %add3A_58, %add3A_63 : vector<16xf32>, vector<16xf32>
        }
        %scan3A_42 = arith.constant 8 : i32
        %add3A_43 = arith.addf %scan3A_41#0, %scan3A_41#1 : vector<16xf32>
        %mul3A_44 = arith.constant 16 : i32
        %mul3A_45 = arith.muli %scan3A_34, %mul3A_44 : i32
        %swap3A = arith.index_cast %mul3A_45 : i32 to index
        %swap3A_46 = tpu.vector_load %arg6[%swap3A] {strides = array<i32>} : memref<256xf32, #tpu.memory_space<vmem>>, vector<16xf32>,
        tpu.vector_store %arg6[%swap3A], %add3A_43 {strides = array<i32>} : memref<256xf32, #tpu.memory_space<vmem>>, vector<16xf32>,
      }
      %scan3A_31 = arith.constant 16 : i32
      %mul3A_32 = arith.constant 256 : i32
      %mul3A_33 = arith.muli %add3A, %mul3A_32 : i32
      "tpu.region"() ({
        %run_scoped3A = tpu.sem_alloc : memref<!tpu.dma_semaphore, #tpu.memory_space<semaphore_mem>>
        %dma_start3A_34 = tpu.memref_slice %arg3[%mul3A_33] : memref<4096xf32, #tpu.memory_space<hbm>> -> memref<256xf32, #tpu.memory_space<hbm>>
        %dma_start3A_35 = tpu.memref_slice %arg3[%mul3A_33] : memref<4096xf32, #tpu.memory_space<hbm>> -> memref<256xf32, #tpu.memory_space<hbm>>
        tpu.enqueue_dma source(%arg6 : memref<256xf32, #tpu.memory_space<vmem>>) target(%dma_start3A_35 : memref<256xf32, #tpu.memory_space<hbm>>) target_semaphore(%run_scoped3A : memref<!tpu.dma_semaphore, #tpu.memory_space<semaphore_mem>>)
        %dma_wait3A_36 = tpu.memref_slice %arg3[%mul3A_33] : memref<4096xf32, #tpu.memory_space<hbm>> -> memref<256xf32, #tpu.memory_space<hbm>>
        %dma_wait3A_37 = tpu.memref_slice %arg3[%mul3A_33] : memref<4096xf32, #tpu.memory_space<hbm>> -> memref<256xf32, #tpu.memory_space<hbm>>
        tpu.wait_dma2 semaphore(%run_scoped3A : memref<!tpu.dma_semaphore, #tpu.memory_space<semaphore_mem>>) src(%arg6 : memref<256xf32, #tpu.memory_space<vmem>>) dst(%dma_wait3A_37 : memref<256xf32, #tpu.memory_space<hbm>>)
        tpu.yield
      }) : () -> ()
    } else {
    }
    return
  }
}

module attributes {stable_mosaic.version = 14 : i64} {
  func.func @_mean_body(%arg0: i32, %arg1: memref<192x32x384xf32, #tpu.memory_space<vmem>>, %arg2: memref<192x1xf32, #tpu.memory_space<vmem>>, %arg3: memref<192x8x384xf32, #tpu.memory_space<vmem>>) attributes {dimension_semantics = [#tpu.dimension_semantics<arbitrary>], iteration_bounds = array<i64: 12>, scalar_prefetch = 0 : i64, scratch_operands = 1 : i64, tpu.core_type = #tpu.core_type<tc>, window_params = [{transform_indices = @transform_0, window_bounds = array<i64: 192, 32, 384>}, {pipeline_mode = #tpu.pipeline_mode<synchronous>, transform_indices = @transform_1, window_bounds = array<i64: 192, 1>}]} {
    %eq3A = arith.constant 0 : i32
    %eq3A_0 = arith.cmpi eq, %arg0, %eq3A : i32
    %convert_element_type3A = arith.extui %eq3A_0 : i1 to i32
    %cond3A = arith.constant 0 : i32
    %cond3A_1 = arith.cmpi ne, %convert_element_type3A, %cond3A : i32
    scf.if %cond3A_1 {
      %broadcast_in_dim3A = arith.constant 0.000000e+00 : f32
      %broadcast_in_dim3A_23 = vector.broadcast %broadcast_in_dim3A : f32 to vector<192x8x384xf32>
      %swap3A_24 = arith.constant 0 : index
      %swap3A_25 = arith.constant 0 : index
      %swap3A_26 = arith.constant 0 : index
      %swap3A_27 = vector.load %arg3[%swap3A_24, %swap3A_25, %swap3A_26] : memref<192x8x384xf32, #tpu.memory_space<vmem>>, vector<192x8x384xf32>
      tpu.vector_store %arg3[%swap3A_24, %swap3A_25, %swap3A_26], %broadcast_in_dim3A_23 {strides = array<i32>} : memref<192x8x384xf32, #tpu.memory_space<vmem>>, vector<192x8x384xf32>,
    } else {
    }
    %get3A = arith.constant 0 : index
    %get3A_2 = arith.constant 0 : index
    %get3A_3 = arith.constant 0 : index
    %get3A_4 = vector.load %arg1[%get3A, %get3A_2, %get3A_3] : memref<192x32x384xf32, #tpu.memory_space<vmem>>, vector<192x32x384xf32>
    %slice3A = vector.extract_strided_slice %get3A_4 {offsets = [0, 0, 0], sizes = [192, 8, 384], strides = [1, 1, 1]} : vector<192x32x384xf32> to vector<192x8x384xf32>
    %slice3A_5 = vector.extract_strided_slice %get3A_4 {offsets = [0, 8, 0], sizes = [192, 8, 384], strides = [1, 1, 1]} : vector<192x32x384xf32> to vector<192x8x384xf32>
    %add3A = arith.addf %slice3A, %slice3A_5 : vector<192x8x384xf32>
    %slice3A_6 = vector.extract_strided_slice %get3A_4 {offsets = [0, 16, 0], sizes = [192, 8, 384], strides = [1, 1, 1]} : vector<192x32x384xf32> to vector<192x8x384xf32>
    %add3A_7 = arith.addf %add3A, %slice3A_6 : vector<192x8x384xf32>
    %slice3A_8 = vector.extract_strided_slice %get3A_4 {offsets = [0, 24, 0], sizes = [192, 8, 384], strides = [1, 1, 1]} : vector<192x32x384xf32> to vector<192x8x384xf32>
    %add3A_9 = arith.addf %add3A_7, %slice3A_8 : vector<192x8x384xf32>
    %get3A_10 = arith.constant 0 : index
    %get3A_11 = arith.constant 0 : index
    %get3A_12 = arith.constant 0 : index
    %get3A_13 = vector.load %arg3[%get3A_10, %get3A_11, %get3A_12] : memref<192x8x384xf32, #tpu.memory_space<vmem>>, vector<192x8x384xf32>
    %add3A_14 = arith.addf %get3A_13, %add3A_9 : vector<192x8x384xf32>
    %swap3A = arith.constant 0 : index
    %swap3A_15 = arith.constant 0 : index
    %swap3A_16 = arith.constant 0 : index
    %swap3A_17 = vector.load %arg3[%swap3A, %swap3A_15, %swap3A_16] : memref<192x8x384xf32, #tpu.memory_space<vmem>>, vector<192x8x384xf32>
    tpu.vector_store %arg3[%swap3A, %swap3A_15, %swap3A_16], %add3A_14 {strides = array<i32>} : memref<192x8x384xf32, #tpu.memory_space<vmem>>, vector<192x8x384xf32>,
    %eq3A_18 = arith.constant 11 : i32
    %eq3A_19 = arith.cmpi eq, %arg0, %eq3A_18 : i32
    %convert_element_type3A_20 = arith.extui %eq3A_19 : i1 to i32
    %cond3A_21 = arith.constant 0 : i32
    %cond3A_22 = arith.cmpi ne, %convert_element_type3A_20, %cond3A_21 : i32
    scf.if %cond3A_22 {
      %get3A_23 = arith.constant 0 : index
      %get3A_24 = arith.constant 0 : index
      %get3A_25 = arith.constant 0 : index
      %get3A_26 = vector.load %arg3[%get3A_23, %get3A_24, %get3A_25] : memref<192x8x384xf32, #tpu.memory_space<vmem>>, vector<192x8x384xf32>
      %reduce_sum3A = arith.constant dense<0.000000e+00> : vector<192xf32>
      %reduce_sum3A_27 = vector.multi_reduction <add>, %get3A_26, %reduce_sum3A [1, 2] : vector<192x8x384xf32> to vector<192xf32>
      %broadcast_in_dim3A = vector.shape_cast %reduce_sum3A_27 : vector<192xf32> to vector<192x1xf32>
      %mul3A = arith.constant 6.78168407E-6 : f32
      %mul3A_28 = vector.broadcast %mul3A : f32 to vector<192x1xf32>
      %mul3A_29 = arith.mulf %broadcast_in_dim3A, %mul3A_28 : vector<192x1xf32>
      %swap3A_30 = arith.constant 0 : index
      %swap3A_31 = arith.constant 0 : index
      %swap3A_32 = vector.load %arg2[%swap3A_30, %swap3A_31] : memref<192x1xf32, #tpu.memory_space<vmem>>, vector<192x1xf32>
      tpu.vector_store %arg2[%swap3A_30, %swap3A_31], %mul3A_29 {strides = array<i32>} : memref<192x1xf32, #tpu.memory_space<vmem>>, vector<192x1xf32>,
    } else {
    }
    return
  }
  func.func @transform_0(%arg0: i32) -> (i32, i32, i32) {
    %c0_i32 = arith.constant 0 : i32
    %c0_i32_0 = arith.constant 0 : i32
    %c0_i32_1 = arith.constant 0 : i32
    return %c0_i32, %arg0, %c0_i32_0 : i32, i32, i32
  }
  func.func @transform_1(%arg0: i32) -> (i32, i32) {
    %c0_i32 = arith.constant 0 : i32
    %c0_i32_0 = arith.constant 0 : i32
    %c0_i32_1 = arith.constant 0 : i32
    return %c0_i32, %c0_i32_0 : i32, i32
  }
}

module attributes {stable_mosaic.version = 14 : i64} {
  func.func @_emit_body(%arg0: memref<192x1xf32, #tpu.memory_space<vmem>>, %arg1: memref<4096xf32, #tpu.memory_space<vmem>>, %arg2: memref<448xf32, #tpu.memory_space<vmem>>) attributes {dimension_semantics = [], scalar_prefetch = 0 : i64, scratch_operands = 0 : i64, tpu.core_type = #tpu.core_type<tc>} {
    %get3A = arith.constant 0 : index
    %get3A_0 = vector.load %arg1[%get3A] : memref<4096xf32, #tpu.memory_space<vmem>>, vector<256xf32>
    %get3A_1 = arith.constant 256 : index
    %get3A_2 = vector.load %arg1[%get3A_1] : memref<4096xf32, #tpu.memory_space<vmem>>, vector<256xf32>
    %add3A = arith.addf %get3A_0, %get3A_2 : vector<256xf32>
    %get3A_3 = arith.constant 512 : index
    %get3A_4 = vector.load %arg1[%get3A_3] : memref<4096xf32, #tpu.memory_space<vmem>>, vector<256xf32>
    %add3A_5 = arith.addf %add3A, %get3A_4 : vector<256xf32>
    %get3A_6 = arith.constant 768 : index
    %get3A_7 = vector.load %arg1[%get3A_6] : memref<4096xf32, #tpu.memory_space<vmem>>, vector<256xf32>
    %add3A_8 = arith.addf %add3A_5, %get3A_7 : vector<256xf32>
    %get3A_9 = arith.constant 1024 : index
    %get3A_10 = vector.load %arg1[%get3A_9] : memref<4096xf32, #tpu.memory_space<vmem>>, vector<256xf32>
    %add3A_11 = arith.addf %add3A_8, %get3A_10 : vector<256xf32>
    %get3A_12 = arith.constant 1280 : index
    %get3A_13 = vector.load %arg1[%get3A_12] : memref<4096xf32, #tpu.memory_space<vmem>>, vector<256xf32>
    %add3A_14 = arith.addf %add3A_11, %get3A_13 : vector<256xf32>
    %get3A_15 = arith.constant 1536 : index
    %get3A_16 = vector.load %arg1[%get3A_15] : memref<4096xf32, #tpu.memory_space<vmem>>, vector<256xf32>
    %add3A_17 = arith.addf %add3A_14, %get3A_16 : vector<256xf32>
    %get3A_18 = arith.constant 1792 : index
    %get3A_19 = vector.load %arg1[%get3A_18] : memref<4096xf32, #tpu.memory_space<vmem>>, vector<256xf32>
    %add3A_20 = arith.addf %add3A_17, %get3A_19 : vector<256xf32>
    %get3A_21 = arith.constant 2048 : index
    %get3A_22 = vector.load %arg1[%get3A_21] : memref<4096xf32, #tpu.memory_space<vmem>>, vector<256xf32>
    %add3A_23 = arith.addf %add3A_20, %get3A_22 : vector<256xf32>
    %get3A_24 = arith.constant 2304 : index
    %get3A_25 = vector.load %arg1[%get3A_24] : memref<4096xf32, #tpu.memory_space<vmem>>, vector<256xf32>
    %add3A_26 = arith.addf %add3A_23, %get3A_25 : vector<256xf32>
    %get3A_27 = arith.constant 2560 : index
    %get3A_28 = vector.load %arg1[%get3A_27] : memref<4096xf32, #tpu.memory_space<vmem>>, vector<256xf32>
    %add3A_29 = arith.addf %add3A_26, %get3A_28 : vector<256xf32>
    %get3A_30 = arith.constant 2816 : index
    %get3A_31 = vector.load %arg1[%get3A_30] : memref<4096xf32, #tpu.memory_space<vmem>>, vector<256xf32>
    %add3A_32 = arith.addf %add3A_29, %get3A_31 : vector<256xf32>
    %get3A_33 = arith.constant 3072 : index
    %get3A_34 = vector.load %arg1[%get3A_33] : memref<4096xf32, #tpu.memory_space<vmem>>, vector<256xf32>
    %add3A_35 = arith.addf %add3A_32, %get3A_34 : vector<256xf32>
    %get3A_36 = arith.constant 3328 : index
    %get3A_37 = vector.load %arg1[%get3A_36] : memref<4096xf32, #tpu.memory_space<vmem>>, vector<256xf32>
    %add3A_38 = arith.addf %add3A_35, %get3A_37 : vector<256xf32>
    %get3A_39 = arith.constant 3584 : index
    %get3A_40 = vector.load %arg1[%get3A_39] : memref<4096xf32, #tpu.memory_space<vmem>>, vector<256xf32>
    %add3A_41 = arith.addf %add3A_38, %get3A_40 : vector<256xf32>
    %get3A_42 = arith.constant 3840 : index
    %get3A_43 = vector.load %arg1[%get3A_42] : memref<4096xf32, #tpu.memory_space<vmem>>, vector<256xf32>
    %add3A_44 = arith.addf %add3A_41, %get3A_43 : vector<256xf32>
    %get3A_45 = arith.constant 0 : index
    %get3A_46 = arith.constant 0 : index
    %get3A_47 = vector.load %arg0[%get3A_45, %get3A_46] : memref<192x1xf32, #tpu.memory_space<vmem>>, vector<192x1xf32>
    %squeeze3A = vector.shape_cast %get3A_47 : vector<192x1xf32> to vector<192xf32>
    %swap3A = arith.constant 0 : index
    %swap3A_48 = vector.load %arg2[%swap3A] : memref<448xf32, #tpu.memory_space<vmem>>, vector<192xf32>
    tpu.vector_store %arg2[%swap3A], %squeeze3A {strides = array<i32>} : memref<448xf32, #tpu.memory_space<vmem>>, vector<192xf32>,
    %mul3A = arith.constant 6.78168407E-6 : f32
    %mul3A_49 = vector.broadcast %mul3A : f32 to vector<256xf32>
    %mul3A_50 = arith.mulf %add3A_44, %mul3A_49 : vector<256xf32>
    %swap3A_51 = arith.constant 192 : index
    %swap3A_52 = vector.load %arg2[%swap3A_51] : memref<448xf32, #tpu.memory_space<vmem>>, vector<256xf32>
    tpu.vector_store %arg2[%swap3A_51], %mul3A_50 {strides = array<i32>} : memref<448xf32, #tpu.memory_space<vmem>>, vector<256xf32>,
    return
  }
}

</mosaic_0001>

<sc_bundles>
// kernel: kernel.5.cloned.1.call-start
scs
__scs_entry_jumppad:
0x0: {  	(pc) =	sbr.rel $0x88, $3  }
0x1: {  	(tag) =	ssettag $0x0;
	lr =	simm.s32 $0x1  }
0x2: {  	[smem:$0x3F9F] =	sst lr;
	_ =	strace $0xD0000000  }
0x3: {  	_ = 	snop  }
0x4: {  	_ = 	snop  }
0x5: {  	_ = 	snop  }
0x6: {  	_ = 	snop  }
0x7: {  	_ = 	snop  }
__scs_overlays_trampoline_lowered:
0x8: {  	[smem:$0x3FAE] =	sst s0  }
0x9: {  	[smem:$0x3FAF] =	sst s1  }
0xa: {  	[smem:$0x3FB0] =	sst s2  }
0xb: {  	[smem:$0x3FB1] =	sst s3  }
0xc: {  	[smem:$0x3FB2] =	sst s4  }
0xd: {  	[smem:$0x3FB3] =	sst s5  }
0xe: {  	[smem:$0x3FB4] =	sst s6  }
0xf: {  	[smem:$0x3FB5] =	sst s7  }
0x10: {  	[smem:$0x3FB6] =	sst s8  }
0x11: {  	[smem:$0x3FB7] =	sst s9;
	s0 =	simm.s32 @!p0 $0x0  }
0x12: {  	s1 =	sld [smem:$0x3F9D];
	s0 =	simm.s32 @p0 $0x1  }
0x13: {  	[smem:$0x3FB8] =	sst s0;
	s0 =	simm.s32 @!p1 $0x0  }
0x14: {  	s2 =	sld [smem:$0x3F9C];
	s0 =	simm.s32 @p1 $0x1  }
0x15: {  	[smem:$0x3FB9] =	sst s0;
	s0 =	simm.s32 @!p2 $0x0  }
0x16: {  	s3 =	sld [smem:$0x3FDB];
	s0 =	simm.s32 @p2 $0x1  }
0x17: {  	s4 =	simm.s32 $0x1BF5;
	[smem:$0x3FBB] =	sst s0  }
0x18: {  	s0 =	sld [smem:$0x3F9E];
	_ =	swait.ge [sflag:s4], $0x0  }
0x19: {  	s7 =	sld [smem:$0x3F9F]  }
0x1a: {  	s8 =	sadd.s32 $0xFFFFE003, lr  }
0x1b: {  	s9 =	sadd.s32 $0xFFFFFEF7, lr;
	s5 =	simm.s32 $0xFFFFFFFF;
	p2 =	slt.u32 s8, $0xFFFFF086  }
0x1c: {  	p1 =	slt.u32 s9, $0xF7A;
	s5 =	simm.s32 @!p2 $0x0  }
0x1d: {  	s5 =	simm.s32 @p1 $0x1;
	p0 =	seq.s32 s7, s2  }
0x1e: {  	s7 =	smul.u32 @!p0 $0xF7A, s2;
	p2 =	seq.s32 @!p0 s5, $0x0  }
0x1f: {  	s9 =	smul.u32 $0xF7A, s1;
	s8 =	simm.s32 @!p0 $0x1BF5;
	p2 =	por !p2, p0  }
0x20: {  	[sflag:s8] =	ssyncset.s32 @!p0 $0xFFFFF086;
	s6 =	sadd.s32 @!p0 s3, s7;
	s7 =	simm.s32 @!p0 $0x108  }
0x21: {  	s3 =	sadd.s32 s3, s9;
	s6 =	sadd.s32 @!p0 $0x88, s6;
	s7 =	simm.s32 @p2 $0x1082  }
0x22: {  	[simem:s7], [sflag:s8] =	dma.local @!p0 [hbm:s6], $0xF7A  }
0x23: {  	s9 =	sor.u32 $0xD0000000, s2;
	s6 =	simm.s32 $0x108;
	_ =	swait.ge @!p0 [sflag:s8], $0x0  }
0x24: {  	s3 =	sadd.s32 $0x88, s3;
	s6 =	simm.s32 @!p1 $0x1082;
	[sflag:s4] =	ssyncset.s32 $0xFFFFF086  }
0x25: {  	[simem:s6], [sflag:s4] =	dma.local [hbm:s3], $0xF7A  }
0x26: {  	[smem:$0x3F9F] =	sst s1;
	(tag) =	ssettag s2;
	_ =	strace s9  }
0x27: {  	s1 =	sld [smem:$0x3FAF]  }
0x28: {  	s2 =	sld [smem:$0x3FB0]  }
0x29: {  	s4 =	sld [smem:$0x3FB2]  }
0x2a: {  	p0 =	seq.s32 s5, $0x0;
	s5 =	sld [smem:$0x3FB3]  }
0x2b: {  	s6 =	sld [smem:$0x3FB4]  }
0x2c: {  	s7 =	sld [smem:$0x3FB5]  }
0x2d: {  	s3 =	simm.s32 $0x108;
	s8 =	sld [smem:$0x3FB6]  }
0x2e: {  	s3 =	simm.s32 @!p0 $0x1082;
	s9 =	sld [smem:$0x3FB7]  }
0x2f: {  	lr =	sadd.s32 s0, s3;
	s0 =	sld [smem:$0x3FAE]  }
0x30: {  	s3 =	sld [smem:$0x3FB1]  }
0x31: {  	[smem:$0x3FBA] =	sst s10  }
0x32: {  	s10 =	sld [smem:$0x3FB8];
	_ =	sdelay $0x3  }
0x33: {  	p0 =	seq.s32 s10, $0x1;
	s10 =	sld [smem:$0x3FBA];
	_ =	sdelay $0x3  }
0x34: {  	[smem:$0x3FBA] =	sst s10  }
0x35: {  	s10 =	sld [smem:$0x3FB9];
	_ =	sdelay $0x3  }
0x36: {  	p1 =	seq.s32 s10, $0x1;
	s10 =	sld [smem:$0x3FBA];
	_ =	sdelay $0x3  }
0x37: {  	[smem:$0x3FBA] =	sst s10  }
0x38: {  	s10 =	sld [smem:$0x3FBB]  }
0x39: {  	_ = 	snop;
	(pc) =	sbr.ind lr, $3  }
0x3a: {  	_ = 	snop  }
0x3b: {  	_ = 	snop  }
0x3c: {  	p2 =	seq.s32 s10, $0x1;
	s10 =	sld [smem:$0x3FBA]  }
0x3d: {  	_ =	shalt  }
0x3e: {  	_ =	shalt  }
0x3f: {  	_ =	shalt  }
0x40: {  	_ =	shalt  }
0x41: {  	_ =	shalt  }
0x42: {  	_ =	shalt  }
0x43: {  	_ =	shalt  }
0x44: {  	_ =	shalt  }
0x45: {  	_ =	shalt  }
0x46: {  	_ =	shalt  }
0x47: {  	_ =	shalt  }
0x48: {  	_ =	shalt  }
0x49: {  	_ =	shalt  }
0x4a: {  	_ =	shalt  }
0x4b: {  	_ =	shalt  }
0x4c: {  	_ =	shalt  }
0x4d: {  	_ =	shalt  }
0x4e: {  	_ =	shalt  }
0x4f: {  	_ =	shalt  }
0x50: {  	_ =	shalt  }
0x51: {  	_ =	shalt  }
0x52: {  	_ =	shalt  }
0x53: {  	_ =	shalt  }
0x54: {  	_ =	shalt  }
0x55: {  	_ =	shalt  }
0x56: {  	_ =	shalt  }
0x57: {  	_ =	shalt  }
0x58: {  	_ =	shalt  }
0x59: {  	_ =	shalt  }
0x5a: {  	_ =	shalt  }
0x5b: {  	_ =	shalt  }
0x5c: {  	_ =	shalt  }
0x5d: {  	_ =	shalt  }
0x5e: {  	_ =	shalt  }
0x5f: {  	_ =	shalt  }
0x60: {  	_ =	shalt  }
0x61: {  	_ =	shalt  }
0x62: {  	_ =	shalt  }
0x63: {  	_ =	shalt  }
0x64: {  	_ =	shalt  }
0x65: {  	_ =	shalt  }
0x66: {  	_ =	shalt  }
0x67: {  	_ =	shalt  }
0x68: {  	_ =	shalt  }
0x69: {  	_ =	shalt  }
0x6a: {  	_ =	shalt  }
0x6b: {  	_ =	shalt  }
0x6c: {  	_ =	shalt  }
0x6d: {  	_ =	shalt  }
0x6e: {  	_ =	shalt  }
0x6f: {  	_ =	shalt  }
0x70: {  	_ =	shalt  }
0x71: {  	_ =	shalt  }
0x72: {  	_ =	shalt  }
0x73: {  	_ =	shalt  }
0x74: {  	_ =	shalt  }
0x75: {  	_ =	shalt  }
0x76: {  	_ =	shalt  }
0x77: {  	_ =	shalt  }
0x78: {  	_ =	shalt  }
0x79: {  	_ =	shalt  }
0x7a: {  	_ =	shalt  }
0x7b: {  	_ =	shalt  }
0x7c: {  	_ =	shalt  }
0x7d: {  	_ =	shalt  }
0x7e: {  	_ =	shalt  }
0x7f: {  	_ =	shalt  }
0x80: {  	_ =	shalt  }
0x81: {  	_ =	shalt  }
0x82: {  	_ =	shalt  }
0x83: {  	_ =	shalt  }
0x84: {  	_ =	shalt  }
0x85: {  	_ =	shalt  }
0x86: {  	_ =	shalt  }
0x87: {  	_ =	shalt  }
.Lfunc_end0:
.L_simem_size_0:
called_computation_lowered:
.L_overlay_start_0:
0x88: {  	s2 =	sld [smem:$0x3FD9]  }
0x89: {  	s3 =	sld [smem:$0x3FFE];
	_ =	sdelay $0x1  }
0x8a: {  	s1 =	srdreg.scid  }
0x8b: {  	s0 =	sand.u32 $0x1, s1  }
0x8c: {  	s17 =	sshll.u32 s0, $0xA;
	s2 =	sadd.s32 s3, s2  }
0x8d: {  	s2 =	sadd.s32 s2, s17  }
0x8e: {  	[smem:$0x3FC6] =	sst s2  }
0x8f: {  	_ = 	snop  }
0x90: {  	s2 =	sld [smem:$0x3FC8];
	(tm) =	ssettm $0x1  }
0x91: {  	s18 =	sld [smem:$0x3FFB];
	_ =	sdelay $0x3  }
0x92: {  	_ =	strace s18  }
0x93: {  	s3 =	sld [smem:$0x3FFC];
	_ =	sdelay $0x3  }
0x94: {  	_ =	strace s3  }
0x95: {  	s3 =	sld [smem:$0x3FFD];
	_ =	sdelay $0x3  }
0x96: {  	_ =	strace s3  }
0x97: {  	_ =	strace $0x8FFFFFFF  }
0x98: {  	s19 =	sld [smem:$0x3FDB];
	_ =	sdelay $0x1  }
0x99: {  	s4 =	simm.s32 $_scs_section_size  }
0x9a: {  	s5 =	simm.s32 $_size__tile_overlayer_lowered;
	s6 =	simm.s32 $_tile_overlayer_lowered  }
0x9b: {  	s22 =	simm.s32 $0x1BFF;
	s21 =	sshll.u32 s6, $0x1;
	s3 =	sadd.s32 s4, s19  }
0x9c: {  	s7 =	simm.s32 $0x0;
	s20 =	sshll.u32 s5, $0x1;
	s5 =	sadd.s32 s21, s3  }
0x9d: {  	[timem:s7], [sflag:s22] =	dma.local [hbm:s5], s20  }
0x9e: {  	_ =	swait.ge [sflag:s22], s20  }
0x9f: {  	s4 =	ssub.s32 $0x0, s20;
	[sflag:s22] =	ssyncset.done $0x0  }
0xa0: {  	[sflag:s22] =	ssyncadd.s32 s4;
	_ =	sdelay $0x1  }
0xa1: {  	s23 =	simm.s32 $0x1B8B  }
0xa2: {  	_ =	swait.ge [sflag:s23], $0x1  }
0xa3: {  	[sflag:s23] =	ssyncset.done $0x0  }
0xa4: {  	s25 =	simm.s32 $0x1B8E;
	s24 =	sld [smem:$0x3FFE];
	[sflag:s23] =	ssyncadd.s32 $0xFFFFFFFF  }
0xa5: {  	s26 =	simm.s32 $execute0_lowered;
	[smem:$0x3FD2] =	sst s25  }
0xa6: {  	s5 =	sshll.u32 s26, $0x1;
	_ =	strace $0x80000046;
	[dreg:$0x1] =	wrdreg $0xFFFFFFFF  }
0xa7: {  	s28 =	simm.s32 $_size_execute0_lowered;
	s3 =	sadd.s32 s3, s5;
	[dreg:$0x0] =	wrdreg $0x0  }
0xa8: {  	s5 =	sshll.u32 s28, $0x1;
	[dreg:$0x2] =	wrdreg s3  }
0xa9: {  	[dreg:$0x3] =	wrdreg s5  }
0xaa: {  	[dreg:$0x4] =	wrdreg $0xC0  }
0xab: {  	_ =	task [dreg:s7], $0x5FFFF  }
0xac: {  	[dreg:$0x1] =	wrdreg $0xFFFFFFFF  }
0xad: {  	[dreg:$0x0] =	wrdreg $0x60  }
0xae: {  	[dreg:$0x2] =	wrdreg s2  }
0xaf: {  	[dreg:$0x3] =	wrdreg s24  }
0xb0: {  	[dreg:$0x4] =	wrdreg $0x9  }
0xb1: {  	_ =	task.clear_ibuf [dreg:s7], $0x5FFFF;
	_ =	strace $0x90000046  }
0xb2: {  	s29 =	simm.s32 $0x9;
	_ =	strace $0x80000048  }
0xb3: {  	_ =	swait.ge [sflag:s29], $0x1  }
0xb4: {  	[sflag:s29] =	ssyncadd.s32 $0xFFFFFFFF  }
0xb5: {  	_ =	strace $0x90000048  }
0xb6: {  	_ =	sfence  }
0xb7: {  	s30 =	sld [smem:$0x0];
	_ =	sdelay $0x2  }
0xb8: {  	s31 =	sshll.u32 s1, $0xD;
	s1 =	sshrl.u32 s1, $0x2  }
0xb9: {  	s3 =	sand.u32 $0x4000, s31;
	s1 =	sadd.s32 s1, s30  }
0xba: {  	s0 =	sor.u32 s3, s0;
	s1 =	sshll.u32 s1, $0x11  }
0xbb: {  	s0 =	sor.u32 s1, s0  }
0xbc: {  	s0 =	sadd.s32 $0x8F2B, s0  }
0xbd: {  	[sflag:s0] =	ssyncadd.remote.s32 $0x1  }
0xbe: {  	_ =	sfence.sel $0xFFFF  }
0xbf: {  	[dreg:$0x0] =	wrdreg $0xFFFFFFFF;
	(pc) =	sbr.abs _section_cstart, $3  }
0xc0: {  	[dreg:$0x1] =	wrdreg $0xFFFFFFFF  }
0xc1: {  	_ =	task.clear_ibuf [dreg:s7], $0x2FFFF;
	_ =	strace $0x9FFFFFFF  }
0xc2: {  	(tm) =	ssettm $0x7FFFFFFF  }
0xc3: {  	_ =	shalt  }
tec
execute0_lowered:
.L_overlay_start_1:
0x0: {  	(tag) =	ssettag $0x1  }
0x1: {  	s1 =	stileid.u32  }
0x2: {  	p0 =	sgt.u32 s1, $0x7  }
.Ltmp0:
0x3: {  	_ = 	snop;
	(pc) =	sbr.rel @p0 .LBB2_9-.Ltmp0, $4  }
0x4: {  	s4 =	rddreg [dreg:$0x0]  }
0x5: {  	s3 =	rddreg [dreg:$0x1];
	s2 =	simm.s32 $0x0  }
0x6: {  	[smem:$0x7FF] =	sst s2  }
0x7: {  	s0 =	rddreg [dreg:$0x2];
	_ =	strace $0x80000047  }
0x8: {  	s5 =	srdreg.scid  }
0x9: {  	s6 =	sshll.u32 s1, $0x1;
	s5 =	sand.u32 $0x1, s5  }
0xa: {  	s8 =	simm.s32 $0x3400;
	s9 =	simm.s32 $0x2;
	s6 =	sor.u32 s5, s6  }
0xb: {  	s10 =	simm.s32 $0x0;
	s5 =	ssub.s32 $0x2, s5;
	s7 =	sshll.u32 s6, $0x5  }
0xc: {  	s6 =	smul.u32 $0x480, s6;
	s31 =	sshrl.u32 s5, $0x1;
	s3 =	sadd.s32 s7, s3  }
0xd: {  	v1 =	vlaneseq.u32;
	s5 =	ssub.s32 s5, s31;
	s7 =	simm.s32 $0x2400;
	s3 =	sadd.s32 $0x600, s3  }
0xe: {  	v0 =	vimm.f32 $0.0e+00;
	v2 =	vimm.f32 $1.000000000e+00;
	v1 =	vmul.u32 $0x100, v1;
	s4 =	sadd.s32 s4, s6;
	s5 =	smax.u32 s5, $0x1;
	s6 =	simm.s32 $0x1  }
.LBB2_2:
0xf: {  	s11 =	simm.s32 $0x0  }
0x10: {  	[tilespmem:s11], [sflag:$0x1] =	stream.linear.gather [hbm4b:s4+s11], $0x2400, $0x38;
	[tilespmem:$0x3500] =	vst v63  }
0x11: {  	s12 =	simm.s32 $0x200;
	s11 =	simm.s32 $0x0  }
.LBB2_3:
0x12: {  	p0 =	sne.s32 s12, $0x3E00;
	[tilespmem:s11+$0x2470] =	vst v0  }
0x13: {  	[tilespmem:s11+$0x2400] =	vst v0  }
0x14: {  	[tilespmem:s11+$0x2410] =	vst v0  }
.Ltmp1:
0x15: {  	[tilespmem:s11+$0x2420] =	vst v0;
	(pc) =	sbr.rel @p0 .LBB2_3-.Ltmp1, $4  }
0x16: {  	[tilespmem:s11+$0x2430] =	vst v0  }
0x17: {  	[tilespmem:s11+$0x2440] =	vst v0  }
0x18: {  	[tilespmem:s11+$0x2450] =	vst v0  }
0x19: {  	[tilespmem:s11+$0x2460] =	vst v0;
	s11 =	sshra.s32 s12, $0x2;
	s12 =	sadd.s32 $0x200, s12  }
0x1a: {  	[tilespmem:s11+$0x2470] =	vst v0  }
0x1b: {  	[tilespmem:s11+$0x2400] =	vst v0  }
0x1c: {  	[tilespmem:s11+$0x2410] =	vst v0  }
0x1d: {  	[tilespmem:s11+$0x2420] =	vst v0  }
0x1e: {  	[tilespmem:s11+$0x2430] =	vst v0  }
0x1f: {  	[tilespmem:s11+$0x2440] =	vst v0  }
0x20: {  	[tilespmem:s11+$0x2450] =	vst v0  }
0x21: {  	[tilespmem:s11+$0x2460] =	vst v0  }
0x22: {  	_ =	swait.ge [sflag:s6], $0x2400  }
0x23: {  	s11 =	simm.s32 $0x0;
	[sflag:s6] =	ssyncset.done $0x0  }
0x24: {  	s12 =	simm.s32 $0x0;
	s13 =	simm.s32 $0x0;
	[sflag:s6] =	ssyncadd.s32 $0xFFFFDC00  }
.LBB2_5:
0x25: {  	s14 =	sshrl.u32 s13, $0x3  }
0x26: {  	s14 =	smul.u32 $0x3000, s14;
	_ =	sdelay $0x1  }
0x27: {  	s15 =	sand.u32 $0x380, s12;
	s14 =	sshra.s32 s14, $0x2  }
0x28: {  	s14 =	sor.u32 s15, s14  }
0x29: {  	v3 =	vld [tilespmem:s14+$0x0];
	_ =	sdelay $0x4  }
0x2a: {  	v3 =	vadd.s32 v1, v3;
	_ =	sdelay $0x4  }
0x2b: {  	[tilespmem:v3+s7+$0x0] =	vst.idx.add.f32.msk $0xffff, v2  }
0x2c: {  	v3 =	vld [tilespmem:s14+$0x10];
	_ =	sdelay $0x4  }
0x2d: {  	v3 =	vadd.s32 v1, v3;
	_ =	sdelay $0x4  }
0x2e: {  	[tilespmem:v3+s7+$0x0] =	vst.idx.add.f32.msk $0xffff, v2  }
0x2f: {  	v3 =	vld [tilespmem:s14+$0x20];
	_ =	sdelay $0x4  }
0x30: {  	v3 =	vadd.s32 v1, v3;
	_ =	sdelay $0x4  }
0x31: {  	[tilespmem:v3+s7+$0x0] =	vst.idx.add.f32.msk $0xffff, v2  }
0x32: {  	v3 =	vld [tilespmem:s14+$0x30];
	_ =	sdelay $0x4  }
0x33: {  	v3 =	vadd.s32 v1, v3;
	_ =	sdelay $0x4  }
0x34: {  	[tilespmem:v3+s7+$0x0] =	vst.idx.add.f32.msk $0xffff, v2  }
0x35: {  	v3 =	vld [tilespmem:s14+$0x40];
	_ =	sdelay $0x4  }
0x36: {  	v3 =	vadd.s32 v1, v3;
	_ =	sdelay $0x4  }
0x37: {  	[tilespmem:v3+s7+$0x0] =	vst.idx.add.f32.msk $0xffff, v2  }
0x38: {  	v3 =	vld [tilespmem:s14+$0x50];
	_ =	sdelay $0x4  }
0x39: {  	v3 =	vadd.s32 v1, v3;
	_ =	sdelay $0x4  }
0x3a: {  	[tilespmem:v3+s7+$0x0] =	vst.idx.add.f32.msk $0xffff, v2  }
0x3b: {  	v3 =	vld [tilespmem:s14+$0x60];
	_ =	sdelay $0x4  }
0x3c: {  	v3 =	vadd.s32 v1, v3;
	_ =	sdelay $0x4  }
0x3d: {  	[tilespmem:v3+s7+$0x0] =	vst.idx.add.f32.msk $0xffff, v2  }
0x3e: {  	v3 =	vld [tilespmem:s14+$0x70];
	_ =	sdelay $0x4  }
0x3f: {  	v3 =	vadd.s32 v1, v3;
	_ =	sdelay $0x4  }
0x40: {  	[tilespmem:v3+s7+$0x0] =	vst.idx.add.f32.msk $0xffff, v2  }
0x41: {  	v3 =	vld [tilespmem:s14+$0x400];
	_ =	sdelay $0x4  }
0x42: {  	v3 =	vadd.s32 v1, v3;
	_ =	sdelay $0x4  }
0x43: {  	[tilespmem:v3+s7+$0x0] =	vst.idx.add.f32.msk $0xffff, v2  }
0x44: {  	v3 =	vld [tilespmem:s14+$0x410];
	_ =	sdelay $0x4  }
0x45: {  	v3 =	vadd.s32 v1, v3;
	_ =	sdelay $0x4  }
0x46: {  	[tilespmem:v3+s7+$0x0] =	vst.idx.add.f32.msk $0xffff, v2  }
0x47: {  	v3 =	vld [tilespmem:s14+$0x420];
	_ =	sdelay $0x4  }
0x48: {  	v3 =	vadd.s32 v1, v3;
	_ =	sdelay $0x4  }
0x49: {  	[tilespmem:v3+s7+$0x0] =	vst.idx.add.f32.msk $0xffff, v2  }
0x4a: {  	v3 =	vld [tilespmem:s14+$0x430];
	_ =	sdelay $0x4  }
0x4b: {  	v3 =	vadd.s32 v1, v3;
	_ =	sdelay $0x4  }
0x4c: {  	[tilespmem:v3+s7+$0x0] =	vst.idx.add.f32.msk $0xffff, v2  }
0x4d: {  	v3 =	vld [tilespmem:s14+$0x440];
	_ =	sdelay $0x4  }
0x4e: {  	v3 =	vadd.s32 v1, v3;
	_ =	sdelay $0x4  }
0x4f: {  	[tilespmem:v3+s7+$0x0] =	vst.idx.add.f32.msk $0xffff, v2  }
0x50: {  	v3 =	vld [tilespmem:s14+$0x450];
	_ =	sdelay $0x4  }
0x51: {  	v3 =	vadd.s32 v1, v3;
	_ =	sdelay $0x4  }
0x52: {  	[tilespmem:v3+s7+$0x0] =	vst.idx.add.f32.msk $0xffff, v2  }
0x53: {  	v3 =	vld [tilespmem:s14+$0x460];
	_ =	sdelay $0x4  }
0x54: {  	v3 =	vadd.s32 v1, v3;
	_ =	sdelay $0x4  }
0x55: {  	[tilespmem:v3+s7+$0x0] =	vst.idx.add.f32.msk $0xffff, v2  }
0x56: {  	v3 =	vld [tilespmem:s14+$0x470];
	_ =	sdelay $0x4  }
0x57: {  	v3 =	vadd.s32 v1, v3;
	_ =	sdelay $0x4  }
0x58: {  	[tilespmem:v3+s7+$0x0] =	vst.idx.add.f32.msk $0xffff, v2  }
0x59: {  	v3 =	vld [tilespmem:s14+$0x800];
	_ =	sdelay $0x4  }
0x5a: {  	v3 =	vadd.s32 v1, v3;
	_ =	sdelay $0x4  }
0x5b: {  	[tilespmem:v3+s7+$0x0] =	vst.idx.add.f32.msk $0xffff, v2  }
0x5c: {  	v3 =	vld [tilespmem:s14+$0x810];
	_ =	sdelay $0x4  }
0x5d: {  	v3 =	vadd.s32 v1, v3;
	_ =	sdelay $0x4  }
0x5e: {  	[tilespmem:v3+s7+$0x0] =	vst.idx.add.f32.msk $0xffff, v2  }
0x5f: {  	v3 =	vld [tilespmem:s14+$0x820];
	_ =	sdelay $0x4  }
0x60: {  	v3 =	vadd.s32 v1, v3;
	_ =	sdelay $0x4  }
0x61: {  	[tilespmem:v3+s7+$0x0] =	vst.idx.add.f32.msk $0xffff, v2  }
0x62: {  	v3 =	vld [tilespmem:s14+$0x830];
	_ =	sdelay $0x4  }
0x63: {  	v3 =	vadd.s32 v1, v3;
	_ =	sdelay $0x4  }
0x64: {  	[tilespmem:v3+s7+$0x0] =	vst.idx.add.f32.msk $0xffff, v2  }
0x65: {  	v3 =	vld [tilespmem:s14+$0x840];
	_ =	sdelay $0x4  }
0x66: {  	v3 =	vadd.s32 v1, v3;
	_ =	sdelay $0x4  }
0x67: {  	[tilespmem:v3+s7+$0x0] =	vst.idx.add.f32.msk $0xffff, v2  }
0x68: {  	v3 =	vld [tilespmem:s14+$0x850];
	_ =	sdelay $0x4  }
0x69: {  	v3 =	vadd.s32 v1, v3;
	_ =	sdelay $0x4  }
0x6a: {  	[tilespmem:v3+s7+$0x0] =	vst.idx.add.f32.msk $0xffff, v2  }
0x6b: {  	v3 =	vld [tilespmem:s14+$0x860];
	_ =	sdelay $0x4  }
0x6c: {  	v3 =	vadd.s32 v1, v3;
	_ =	sdelay $0x4  }
0x6d: {  	[tilespmem:v3+s7+$0x0] =	vst.idx.add.f32.msk $0xffff, v2  }
0x6e: {  	v3 =	vld [tilespmem:s14+$0x870];
	_ =	sdelay $0x4  }
0x6f: {  	p0 =	sne.s32 s13, $0x17;
	v3 =	vadd.s32 v1, v3  }
.Ltmp2:
0x70: {  	_ = 	snop;
	(pc) =	sbr.rel @p0 .LBB2_5-.Ltmp2, $2  }
0x71: {  	_ =	sdelay $0x2  }
0x72: {  	s12 =	sadd.s32 $0x80, s12;
	s13 =	sadd.s32 $0x1, s13;
	[tilespmem:v3+s7+$0x0] =	vst.idx.add.f32.msk $0xffff, v2  }
0x73: {  	s11 =	sand.u32 $0xF0, s11  }
0x74: {  	v3 =	vld [tilespmem:s11+$0x2400]  }
0x75: {  	v4 =	vld [tilespmem:s11+$0x2500]  }
0x76: {  	v5 =	vld [tilespmem:s11+$0x2600]  }
0x77: {  	v6 =	vld [tilespmem:s11+$0x2700]  }
0x78: {  	v7 =	vld [tilespmem:s11+$0x2800]  }
0x79: {  	v8 =	vld [tilespmem:s11+$0x2900]  }
0x7a: {  	v9 =	vld [tilespmem:s11+$0x2A00];
	v3 =	vadd.f32 $0.0e+00, v3;
	v4 =	vadd.f32 $0.0e+00, v4  }
0x7b: {  	v10 =	vld [tilespmem:s11+$0x2B00]  }
0x7c: {  	v58 =	vld [tilespmem:s11+$0x2D00];
	v3 =	vadd.f32 v5, v3;
	v4 =	vadd.f32 v6, v4  }
0x7d: {  	v5 =	vld [tilespmem:s11+$0x2C00]  }
0x7e: {  	v59 =	vld [tilespmem:s11+$0x2E00];
	v3 =	vadd.f32 v7, v3;
	v4 =	vadd.f32 v8, v4  }
0x7f: {  	v60 =	vld [tilespmem:s11+$0x2F00]  }
0x80: {  	v61 =	vld [tilespmem:s11+$0x3000];
	v3 =	vadd.f32 v9, v3;
	v4 =	vadd.f32 v10, v4  }
0x81: {  	v62 =	vld [tilespmem:s11+$0x3100]  }
0x82: {  	v63 =	vld [tilespmem:s11+$0x3300];
	v3 =	vadd.f32 v5, v3;
	v4 =	vadd.f32 v58, v4  }
0x83: {  	v5 =	vld [tilespmem:s11+$0x3200]  }
0x84: {  	v3 =	vadd.f32 v59, v3;
	v4 =	vadd.f32 v60, v4;
	_ =	sdelay $0x1  }
0x85: {  	v3 =	vadd.f32 v61, v3;
	v4 =	vadd.f32 v62, v4;
	_ =	sdelay $0x1  }
0x86: {  	v3 =	vadd.f32 v5, v3;
	v4 =	vadd.f32 v63, v4;
	_ =	sdelay $0x1  }
0x87: {  	v3 =	vadd.f32 v4, v3  }
0x88: {  	s12 =	simm.s32 $0x10;
	s11 =	simm.s32 $0x3400  }
0x89: {  	s12 =	sand.u32 $0xF0, s12;
	[tilespmem:s11+$0x0] =	vst v3  }
0x8a: {  	s13 =	simm.s32 $0x20;
	v3 =	vld [tilespmem:s12+$0x2400]  }
.LBB2_7:
0x8b: {  	p0 =	sne.s32 s13, $0xF0;
	v4 =	vld [tilespmem:s12+$0x2500]  }
0x8c: {  	v5 =	vld [tilespmem:s12+$0x2600]  }
0x8d: {  	v6 =	vld [tilespmem:s12+$0x2700]  }
0x8e: {  	v7 =	vld [tilespmem:s12+$0x2800]  }
0x8f: {  	v8 =	vld [tilespmem:s12+$0x2900]  }
0x90: {  	v3 =	vadd.f32 $0.0e+00, v3;
	v4 =	vadd.f32 $0.0e+00, v4;
	v9 =	vld [tilespmem:s12+$0x2A00]  }
0x91: {  	v10 =	vld [tilespmem:s12+$0x2B00]  }
0x92: {  	v3 =	vadd.f32 v5, v3;
	v4 =	vadd.f32 v6, v4;
	v5 =	vld [tilespmem:s12+$0x2C00]  }
0x93: {  	v6 =	vld [tilespmem:s12+$0x2D00]  }
0x94: {  	v3 =	vadd.f32 v7, v3;
	v4 =	vadd.f32 v8, v4;
	v7 =	vld [tilespmem:s12+$0x2E00]  }
0x95: {  	v8 =	vld [tilespmem:s12+$0x2F00]  }
0x96: {  	v3 =	vadd.f32 v9, v3;
	v4 =	vadd.f32 v10, v4;
	v9 =	vld [tilespmem:s12+$0x3000]  }
0x97: {  	v10 =	vld [tilespmem:s12+$0x3100]  }
0x98: {  	v3 =	vadd.f32 v5, v3;
	v4 =	vadd.f32 v6, v4;
	v5 =	vld [tilespmem:s12+$0x3200]  }
0x99: {  	v6 =	vld [tilespmem:s12+$0x3300]  }
0x9a: {  	v3 =	vadd.f32 v7, v3;
	v4 =	vadd.f32 v8, v4;
	_ =	sdelay $0x1  }
0x9b: {  	v3 =	vadd.f32 v9, v3;
	v4 =	vadd.f32 v10, v4;
	_ =	sdelay $0x1  }
0x9c: {  	v3 =	vadd.f32 v5, v3;
	v4 =	vadd.f32 v6, v4  }
.Ltmp3:
0x9d: {  	(pc) =	sbr.rel @p0 .LBB2_7-.Ltmp3, $4  }
0x9e: {  	v3 =	vadd.f32 v4, v3  }
0x9f: {  	s11 =	sadd.s32 $0x10, s11  }
0xa0: {  	s12 =	sand.u32 $0xF0, s13;
	[tilespmem:s11+$0x0] =	vst v3  }
0xa1: {  	s13 =	sadd.s32 $0x10, s13;
	v3 =	vld [tilespmem:s12+$0x2400]  }
0xa2: {  	v4 =	vld [tilespmem:s12+$0x2500]  }
0xa3: {  	v5 =	vld [tilespmem:s12+$0x2600]  }
0xa4: {  	v6 =	vld [tilespmem:s12+$0x2700]  }
0xa5: {  	v7 =	vld [tilespmem:s12+$0x2800]  }
0xa6: {  	v8 =	vld [tilespmem:s12+$0x2900]  }
0xa7: {  	v9 =	vld [tilespmem:s12+$0x2A00];
	v3 =	vadd.f32 $0.0e+00, v3;
	v4 =	vadd.f32 $0.0e+00, v4  }
0xa8: {  	v10 =	vld [tilespmem:s12+$0x2B00]  }
0xa9: {  	v56 =	vld [tilespmem:s12+$0x2C00];
	v3 =	vadd.f32 v5, v3;
	v4 =	vadd.f32 v6, v4  }
0xaa: {  	v57 =	vld [tilespmem:s12+$0x2D00]  }
0xab: {  	v58 =	vld [tilespmem:s12+$0x2E00];
	v3 =	vadd.f32 v7, v3;
	v4 =	vadd.f32 v8, v4  }
0xac: {  	v59 =	vld [tilespmem:s12+$0x2F00]  }
0xad: {  	v60 =	vld [tilespmem:s12+$0x3000];
	v3 =	vadd.f32 v9, v3;
	v4 =	vadd.f32 v10, v4  }
0xae: {  	v61 =	vld [tilespmem:s12+$0x3100]  }
0xaf: {  	v62 =	vld [tilespmem:s12+$0x3200];
	v3 =	vadd.f32 v56, v3;
	v4 =	vadd.f32 v57, v4  }
0xb0: {  	v63 =	vld [tilespmem:s12+$0x3300]  }
0xb1: {  	v3 =	vadd.f32 v58, v3;
	v4 =	vadd.f32 v59, v4;
	_ =	sdelay $0x1  }
0xb2: {  	v3 =	vadd.f32 v60, v3;
	v4 =	vadd.f32 v61, v4;
	_ =	sdelay $0x1  }
0xb3: {  	v3 =	vadd.f32 v62, v3;
	v4 =	vadd.f32 v63, v4;
	_ =	sdelay $0x1  }
0xb4: {  	s10 =	sadd.s32 $0x1, s10;
	v3 =	vadd.f32 v4, v3  }
0xb5: {  	s11 =	sadd.s32 $0x10, s11;
	p0 =	sne.s32 s10, s5  }
.Ltmp4:
0xb6: {  	[tilespmem:s11+$0x0] =	vst v3;
	(pc) =	sbr.rel @p0 .LBB2_2-.Ltmp4, $4  }
0xb7: {  	[hbm4b:s3+s2] =	stream.linear.scatter [tilespmem:s8], [sflag:$0x2], $0x100, $0x38;
	[tilespmem:$0x3500] =	vst v63  }
0xb8: {  	_ =	swait.ge [sflag:s9], $0x100  }
0xb9: {  	[sflag:s9] =	ssyncset.done $0x0  }
0xba: {  	[sflag:s9] =	ssyncadd.s32 $0xFFFFFF00  }
.LBB2_9:
0xbb: {  	_ =	sfence.sel $0x180000  }
0xbc: {  	[bflag:$0x0] =	sbarrier.arrive $0xFFFF  }
0xbd: {  	p0 =	sne.s32 s1, $0x0;
	_ =	strace $0x90000047  }
0xbe: {  	s0 =	sadd.s32 @!p0 $0x100000, s0;
	[bflag:$0x2] =	sbarrier.arrive $0xFFFF  }
0xbf: {  	[sflag:s0] =	ssyncadd.tile.s32 @!p0 $0x1;
	_ =	shalt  }
.Lfunc_end2:
_tile_overlayer_lowered:
.L_overlay_start_2:
0xc0: {  	(tag) =	ssettag $0x2  }
0xc1: {  	s0 =	rddreg [dreg:$0x0];
	s2 =	stileid.u32  }
0xc2: {  	s1 =	rddreg [dreg:$0x1];
	p0 =	sne.s32 s2, $0x0  }
0xc3: {  	s3 =	rddreg [dreg:$0x2];
	[bflag:$0x3] =	sbarrier.arrive $0xFFFF;
	s2 =	simm.s32 @!p0 $0x1C02  }
0xc4: {  	[timem:s3], [sflag:s2] =	dma.local @!p0 [hbm:s0], s1  }
0xc5: {  	s0 =	simm.s32 @!p0 $0x2  }
0xc6: {  	_ =	swait.ge @!p0 [sflag:s0], s1  }
0xc7: {  	s1 =	ssub.s32 @!p0 $0x0, s1;
	[sflag:s0] =	ssyncset.done @!p0 $0x0  }
0xc8: {  	[sflag:s0] =	ssyncadd.s32 @!p0 s1  }
0xc9: {  	[bflag:$0x3] =	sbarrier.arrive $0xFFFF  }
0xca: {  	_ =	shalt  }

</sc_bundles>
